<compile_context>
chip_gen: v7x
topology: tpu7x:2x2x1
jax: 0.10.2.dev20260603
libtpu: 0.0.44.dev20260713+nightly
codegen_flags: <defaults>
</compile_context>

<pallas_src>
import jax
import jax.numpy as jnp
from jax import lax
from jax.experimental import pallas as pl
from jax.experimental.pallas import tpu as pltpu
from jax.experimental.pallas import tpu_sc as plsc

N_NODES = 10000
N_EDGES = 320000
D = 128
NUM_RELS = 64
NUM_BASES = 64

NC = 2
NS = 16
NW = NC * NS
CH = 125
CHUNKS = 80
assert NW * CHUNKS * CH == N_EDGES
ZCH = 16
NZ = N_NODES // ZCH
ZITER = -(-NZ // NS)


def _weights_body(coeff_ref, bases_ref, out_ref):
    out_ref[...] = jnp.dot(coeff_ref[...], bases_ref[...],
                           preferred_element_type=jnp.float32)


def _combine_weights(coeff, bases_flat):
    return pl.pallas_call(
        _weights_body,
        out_shape=jax.ShapeDtypeStruct((NUM_RELS, D * D), jnp.float32),
    )(coeff, bases_flat)


def _project_body(x_ref, w_ref, out_ref):
    out_ref[0] = jnp.dot(x_ref[...], w_ref[0],
                         preferred_element_type=jnp.float32)


def _project_all(x, weight):
    return pl.pallas_call(
        _project_body,
        grid=(NUM_RELS,),
        in_specs=[
            pl.BlockSpec((N_NODES, D), lambda r: (0, 0)),
            pl.BlockSpec((1, D, D), lambda r: (r, 0, 0)),
        ],
        out_specs=pl.BlockSpec((1, N_NODES, D), lambda r: (r, 0, 0)),
        out_shape=jax.ShapeDtypeStruct((NUM_RELS, N_NODES, D), jnp.float32),
    )(x, weight)


def _sc_body(h_hbm, gidx_hbm, didx_hbm, zeros_hbm, out_hbm,
             gidx_v, didx_v, rows_v, acc_sh, sem):
    cid = lax.axis_index("c")
    sid = lax.axis_index("s")
    wid = cid * NS + sid

    @pl.loop(0, ZITER)
    def _(i):
        c = i * NS + sid

        @pl.when(c < NZ)
        def _():
            zl = pl.ds(c * ZCH, ZCH)
            pltpu.sync_copy(zeros_hbm.at[zl], acc_sh.at[zl])

    pltpu.sync_copy(gidx_hbm.at[wid], gidx_v)
    pltpu.sync_copy(didx_hbm.at[wid], didx_v)
    plsc.subcore_barrier()

    @pl.loop(0, CHUNKS)
    def _(j):
        pltpu.async_copy(h_hbm.at[gidx_v.at[j]], rows_v, sem).wait()
        pltpu.sync_copy(rows_v, acc_sh.at[didx_v.at[j]], add=True)

    plsc.subcore_barrier()

    @pl.loop(0, ZITER)
    def _(i):
        c = i * NS + sid

        @pl.when(c < NZ)
        def _():
            zl = pl.ds(c * ZCH, ZCH)
            pltpu.sync_copy(acc_sh.at[zl], out_hbm.at[cid].at[zl])


def _sc_scatter(h_flat, gidx, didx, zeros):
    mesh = plsc.VectorSubcoreMesh(core_axis_name="c", subcore_axis_name="s")
    return pl.kernel(
        _sc_body,
        out_type=jax.ShapeDtypeStruct((NC, N_NODES, D), jnp.float32),
        mesh=mesh,
        scratch_types=[
            pltpu.VMEM((CHUNKS, CH), jnp.int32),
            pltpu.VMEM((CHUNKS, CH), jnp.int32),
            pltpu.VMEM((CH, D), jnp.float32),
            pltpu.VMEM_SHARED((N_NODES, D), jnp.float32),
            pltpu.SemaphoreType.DMA,
        ],
    )(h_flat, gidx, didx, zeros)


def _tail_body(acc_ref, x_ref, hb_ref, wr_ref, br_ref, g_ref, b_ref,
               out_ref):
    agg = acc_ref[0] + acc_ref[1]
    h = jnp.maximum(agg + hb_ref[...], 0.0)
    res = jnp.dot(x_ref[...], wr_ref[...], preferred_element_type=jnp.float32)
    h = h + jnp.maximum(res + br_ref[...], 0.0)
    mean = jnp.mean(h, axis=0, keepdims=True)
    cent = h - mean
    var = jnp.mean(cent * cent, axis=0, keepdims=True)
    inv = lax.rsqrt(var + 1e-5)
    out_ref[...] = cent * inv * g_ref[...] + b_ref[...]


def _tail(acc, x, h_bias, W_res, b_res, gamma, beta):
    return pl.pallas_call(
        _tail_body,
        out_shape=jax.ShapeDtypeStruct((N_NODES, D), jnp.float32),
    )(acc, x, h_bias.reshape(1, D), W_res, b_res.reshape(1, D),
      gamma.reshape(1, D), beta.reshape(1, D))


def kernel(node_feats, edge_index, etype, bases, coeff, h_bias, W_res, b_res,
           gamma, beta):
    src = edge_index[0].astype(jnp.int32)
    dst = edge_index[1].astype(jnp.int32)
    et = etype.astype(jnp.int32)

    weight = _combine_weights(coeff, bases.reshape(NUM_BASES, D * D))
    h_all = _project_all(node_feats, weight.reshape(NUM_RELS, D, D))
    h_flat = h_all.reshape(NUM_RELS * N_NODES, D)

    gidx = (et * N_NODES + src).reshape(NW, CHUNKS, CH)
    didx = dst.reshape(NW, CHUNKS, CH)

    zeros = jnp.zeros((N_NODES, D), jnp.float32)
    acc = _sc_scatter(h_flat, gidx, didx, zeros)

    return _tail(acc, node_feats, h_bias, W_res, b_res, gamma, beta)

# --- scband reference (transcript-rebuilt; emitter-appended) ---
"""Pipeline reference for scband-rgcnlayer-30829275250940 (READ-ONLY COPY).

The authoritative reference and input builder live on the scoring server;
editing this copy changes nothing except your own understanding.
"""

import jax, jax.numpy as jnp
import numpy as np

N_NODES = 10000
N_EDGES = 320000
D_IN = 128
D_OUT = 128
NUM_RELS = 64
NUM_BASES = 64  # num_bases=None in DGL basis regularizer -> num_bases = num_rels


def setup_inputs(seed: int = 0) -> dict:
    key = jax.random.key(seed)
    ks = jax.random.split(key, 10)
    node_feats = jax.random.normal(ks[0], (N_NODES, D_IN), dtype=jnp.float32)
    edge_index = jax.random.randint(ks[1], (2, N_EDGES), 0, N_NODES, dtype=jnp.int64)
    etype = jax.random.randint(ks[2], (N_EDGES,), 0, NUM_RELS, dtype=jnp.int64)
    # RelGraphConv 'basis' regularizer params
    bases = jax.random.normal(ks[3], (NUM_BASES, D_IN, D_OUT), dtype=jnp.float32) * (1.0 / np.sqrt(D_IN))
    coeff = jax.random.normal(ks[4], (NUM_RELS, NUM_BASES), dtype=jnp.float32) * (1.0 / np.sqrt(NUM_BASES))
    h_bias = jnp.zeros((D_OUT,), dtype=jnp.float32)
    # residual linear
    W_res = jax.random.normal(ks[5], (D_IN, D_OUT), dtype=jnp.float32) * (1.0 / np.sqrt(D_IN))
    b_res = jnp.zeros((D_OUT,), dtype=jnp.float32)
    # batchnorm affine params
    gamma = jnp.ones((D_OUT,), dtype=jnp.float32)
    beta = jnp.zeros((D_OUT,), dtype=jnp.float32)
    return {
        "node_feats": node_feats,
        "edge_index": edge_index,
        "etype": etype,
        "bases": bases,
        "coeff": coeff,
        "h_bias": h_bias,
        "W_res": W_res,
        "b_res": b_res,
        "gamma": gamma,
        "beta": beta,
    }


def reference(node_feats, edge_index, etype, bases, coeff, h_bias, W_res, b_res, gamma, beta):
    n_nodes = node_feats.shape[0]
    # basis regularizer: W_r = sum_b coeff[r,b] * bases[b]
    weight = jnp.einsum('rb,bio->rio', coeff, bases)  # [R, D_IN, D_OUT]
    # project every node through every relation weight, then gather per edge
    # (math-equivalent to per-edge x[src] @ W[etype], avoids materializing [E, D, D])
    h_all = jnp.einsum('ni,rio->nro', node_feats, weight)  # [N, R, D_OUT]
    src = edge_index[0]
    dst = edge_index[1]
    msg = h_all[src, etype]  # [E, D_OUT] gather
    agg = jax.ops.segment_sum(msg, dst, num_segments=n_nodes)  # scatter-add
    h = agg + h_bias
    h = jax.nn.relu(h)  # activation inside RelGraphConv; dropout is identity in eval
    # residual connection
    res = jax.nn.relu(node_feats @ W_res + b_res)
    h = h + res
    # BatchNorm1d (training-mode batch statistics, eps=1e-5)
    mean = jnp.mean(h, axis=0)
    var = jnp.var(h, axis=0)
    h = (h - mean) / jnp.sqrt(var + 1e-5) * gamma + beta
    return h

if __name__ == "__main__":
    import jax
    _d = setup_inputs()
    print(jax.jit(kernel)(*tuple(_d.values())))

</pallas_src>

<mosaic_0001>
#map = affine_map<(d0, d1) -> (0, 0)>
#map1 = affine_map<(d0, d1) -> (0, 0, 0)>
module attributes {stable_mosaic.version = 14 : i64} {
  func.func @_sc_body(%arg0: i32, %arg1: i32, %arg2: memref<640000x128xf32, #tpu.memory_space<hbm>>, %arg3: memref<32x80x125xi32, #tpu.memory_space<hbm>>, %arg4: memref<32x80x125xi32, #tpu.memory_space<hbm>>, %arg5: memref<10000x128xf32, #tpu.memory_space<hbm>>, %arg6: memref<2x10000x128xf32, #tpu.memory_space<hbm>>, %arg7: memref<80x125xi32, #tpu.memory_space<vmem>>, %arg8: memref<80x125xi32, #tpu.memory_space<vmem>>, %arg9: memref<125x128xf32, #tpu.memory_space<vmem>>, %arg10: memref<10000x128xf32, #tpu.memory_space<vmem_shared>>, %arg11: memref<!tpu.dma_semaphore, #tpu.memory_space<semaphore_mem>>) attributes {dimension_semantics = [#tpu.dimension_semantics<core_parallel>, #tpu.dimension_semantics<subcore_parallel>], iteration_bounds = array<i64: 2, 16>, scalar_prefetch = 0 : i64, scratch_operands = 5 : i64, tpu.core_type = #tpu.core_type<sc_vector_subcore>, window_params = [{transform_indices = #map}, {transform_indices = #map1}, {transform_indices = #map1}, {transform_indices = #map}, {transform_indices = #map1}]} {
    %mul3A = arith.constant 16 : i32
    %mul3A_0 = arith.muli %arg0, %mul3A : i32
    %add3A = arith.addi %mul3A_0, %arg1 : i32
    %scan3A = arith.constant 0 : i32
    %scan3A_1 = arith.constant 40 : i32
    %scan3A_2 = arith.addi %scan3A, %scan3A_1 : i32
    %scan3A_3 = arith.constant 1 : i32
    scf.for %scan3A_16 = %scan3A to %scan3A_2 step %scan3A_3  : i32 {
      %mul3A_17 = arith.constant 1 : i32
      %mul3A_18 = arith.muli %scan3A_16, %mul3A_17 : i32
      %add3A_19 = arith.constant 0 : i32
      %add3A_20 = arith.addi %add3A_19, %mul3A_18 : i32
      %mul3A_21 = arith.constant 16 : i32
      %mul3A_22 = arith.muli %add3A_20, %mul3A_21 : i32
      %add3A_23 = arith.addi %mul3A_22, %arg1 : i32
      %lt3A = arith.constant 625 : i32
      %lt3A_24 = arith.cmpi slt, %add3A_23, %lt3A : i32
      %convert_element_type3A = arith.extui %lt3A_24 : i1 to i32
      %cond3A = arith.constant 0 : i32
      %cond3A_25 = arith.cmpi ne, %convert_element_type3A, %cond3A : i32
      scf.if %cond3A_25 {
        %mul3A_26 = arith.constant 16 : i32
        %mul3A_27 = arith.muli %add3A_23, %mul3A_26 : i32
        "tpu.region"() ({
          %run_scoped3A = tpu.sem_alloc : memref<!tpu.dma_semaphore, #tpu.memory_space<semaphore_mem>>
          %dma_start3A = arith.constant 0 : i32
          %dma_start3A_28 = tpu.memref_slice %arg10[%mul3A_27, %dma_start3A] : memref<10000x128xf32, #tpu.memory_space<vmem_shared>> -> memref<16x128xf32, #tpu.memory_space<vmem_shared>>
          %dma_start3A_29 = arith.constant 0 : i32
          %dma_start3A_30 = tpu.memref_slice %arg5[%mul3A_27, %dma_start3A_29] : memref<10000x128xf32, #tpu.memory_space<hbm>> -> memref<16x128xf32, #tpu.memory_space<hbm>>
          tpu.enqueue_dma source(%dma_start3A_30 : memref<16x128xf32, #tpu.memory_space<hbm>>) target(%dma_start3A_28 : memref<16x128xf32, #tpu.memory_space<vmem_shared>>) target_semaphore(%run_scoped3A : memref<!tpu.dma_semaphore, #tpu.memory_space<semaphore_mem>>)
          %dma_wait3A = arith.constant 0 : i32
          %dma_wait3A_31 = tpu.memref_slice %arg10[%mul3A_27, %dma_wait3A] : memref<10000x128xf32, #tpu.memory_space<vmem_shared>> -> memref<16x128xf32, #tpu.memory_space<vmem_shared>>
          %dma_wait3A_32 = arith.constant 0 : i32
          %dma_wait3A_33 = tpu.memref_slice %arg5[%mul3A_27, %dma_wait3A_32] : memref<10000x128xf32, #tpu.memory_space<hbm>> -> memref<16x128xf32, #tpu.memory_space<hbm>>
          tpu.wait_dma2 semaphore(%run_scoped3A : memref<!tpu.dma_semaphore, #tpu.memory_space<semaphore_mem>>) src(%dma_wait3A_33 : memref<16x128xf32, #tpu.memory_space<hbm>>) dst(%dma_wait3A_31 : memref<16x128xf32, #tpu.memory_space<vmem_shared>>)
          tpu.yield
        }) : () -> ()
      } else {
      }
    }
    %scan3A_4 = arith.constant 40 : i32
    "tpu.region"() ({
      %run_scoped3A = tpu.sem_alloc : memref<!tpu.dma_semaphore, #tpu.memory_space<semaphore_mem>>
      %dma_start3A = arith.constant 0 : i32
      %dma_start3A_16 = arith.constant 0 : i32
      %dma_start3A_17 = tpu.memref_slice %arg3[%add3A, %dma_start3A, %dma_start3A_16] : memref<32x80x125xi32, #tpu.memory_space<hbm>> -> memref<1x80x125xi32, #tpu.memory_space<hbm>>
      %dma_start3A_18 = tpu.memref_squeeze %dma_start3A_17 : memref<1x80x125xi32, #tpu.memory_space<hbm>> -> memref<80x125xi32, #tpu.memory_space<hbm>>
      %dma_start3A_19 = arith.constant 0 : i32
      %dma_start3A_20 = arith.constant 0 : i32
      %dma_start3A_21 = tpu.memref_slice %arg3[%add3A, %dma_start3A_19, %dma_start3A_20] : memref<32x80x125xi32, #tpu.memory_space<hbm>> -> memref<1x80x125xi32, #tpu.memory_space<hbm>>
      %dma_start3A_22 = tpu.memref_squeeze %dma_start3A_21 : memref<1x80x125xi32, #tpu.memory_space<hbm>> -> memref<80x125xi32, #tpu.memory_space<hbm>>
      tpu.enqueue_dma source(%dma_start3A_22 : memref<80x125xi32, #tpu.memory_space<hbm>>) target(%arg7 : memref<80x125xi32, #tpu.memory_space<vmem>>) target_semaphore(%run_scoped3A : memref<!tpu.dma_semaphore, #tpu.memory_space<semaphore_mem>>)
      %dma_wait3A = arith.constant 0 : i32
      %dma_wait3A_23 = arith.constant 0 : i32
      %dma_wait3A_24 = tpu.memref_slice %arg3[%add3A, %dma_wait3A, %dma_wait3A_23] : memref<32x80x125xi32, #tpu.memory_space<hbm>> -> memref<1x80x125xi32, #tpu.memory_space<hbm>>
      %dma_wait3A_25 = tpu.memref_squeeze %dma_wait3A_24 : memref<1x80x125xi32, #tpu.memory_space<hbm>> -> memref<80x125xi32, #tpu.memory_space<hbm>>
      %dma_wait3A_26 = arith.constant 0 : i32
      %dma_wait3A_27 = arith.constant 0 : i32
      %dma_wait3A_28 = tpu.memref_slice %arg3[%add3A, %dma_wait3A_26, %dma_wait3A_27] : memref<32x80x125xi32, #tpu.memory_space<hbm>> -> memref<1x80x125xi32, #tpu.memory_space<hbm>>
      %dma_wait3A_29 = tpu.memref_squeeze %dma_wait3A_28 : memref<1x80x125xi32, #tpu.memory_space<hbm>> -> memref<80x125xi32, #tpu.memory_space<hbm>>
      tpu.wait_dma2 semaphore(%run_scoped3A : memref<!tpu.dma_semaphore, #tpu.memory_space<semaphore_mem>>) src(%dma_wait3A_29 : memref<80x125xi32, #tpu.memory_space<hbm>>) dst(%arg7 : memref<80x125xi32, #tpu.memory_space<vmem>>)
      tpu.yield
    }) : () -> ()
    "tpu.region"() ({
      %run_scoped3A = tpu.sem_alloc : memref<!tpu.dma_semaphore, #tpu.memory_space<semaphore_mem>>
      %dma_start3A = arith.constant 0 : i32
      %dma_start3A_16 = arith.constant 0 : i32
      %dma_start3A_17 = tpu.memref_slice %arg4[%add3A, %dma_start3A, %dma_start3A_16] : memref<32x80x125xi32, #tpu.memory_space<hbm>> -> memref<1x80x125xi32, #tpu.memory_space<hbm>>
      %dma_start3A_18 = tpu.memref_squeeze %dma_start3A_17 : memref<1x80x125xi32, #tpu.memory_space<hbm>> -> memref<80x125xi32, #tpu.memory_space<hbm>>
      %dma_start3A_19 = arith.constant 0 : i32
      %dma_start3A_20 = arith.constant 0 : i32
      %dma_start3A_21 = tpu.memref_slice %arg4[%add3A, %dma_start3A_19, %dma_start3A_20] : memref<32x80x125xi32, #tpu.memory_space<hbm>> -> memref<1x80x125xi32, #tpu.memory_space<hbm>>
      %dma_start3A_22 = tpu.memref_squeeze %dma_start3A_21 : memref<1x80x125xi32, #tpu.memory_space<hbm>> -> memref<80x125xi32, #tpu.memory_space<hbm>>
      tpu.enqueue_dma source(%dma_start3A_22 : memref<80x125xi32, #tpu.memory_space<hbm>>) target(%arg8 : memref<80x125xi32, #tpu.memory_space<vmem>>) target_semaphore(%run_scoped3A : memref<!tpu.dma_semaphore, #tpu.memory_space<semaphore_mem>>)
      %dma_wait3A = arith.constant 0 : i32
      %dma_wait3A_23 = arith.constant 0 : i32
      %dma_wait3A_24 = tpu.memref_slice %arg4[%add3A, %dma_wait3A, %dma_wait3A_23] : memref<32x80x125xi32, #tpu.memory_space<hbm>> -> memref<1x80x125xi32, #tpu.memory_space<hbm>>
      %dma_wait3A_25 = tpu.memref_squeeze %dma_wait3A_24 : memref<1x80x125xi32, #tpu.memory_space<hbm>> -> memref<80x125xi32, #tpu.memory_space<hbm>>
      %dma_wait3A_26 = arith.constant 0 : i32
      %dma_wait3A_27 = arith.constant 0 : i32
      %dma_wait3A_28 = tpu.memref_slice %arg4[%add3A, %dma_wait3A_26, %dma_wait3A_27] : memref<32x80x125xi32, #tpu.memory_space<hbm>> -> memref<1x80x125xi32, #tpu.memory_space<hbm>>
      %dma_wait3A_29 = tpu.memref_squeeze %dma_wait3A_28 : memref<1x80x125xi32, #tpu.memory_space<hbm>> -> memref<80x125xi32, #tpu.memory_space<hbm>>
      tpu.wait_dma2 semaphore(%run_scoped3A : memref<!tpu.dma_semaphore, #tpu.memory_space<semaphore_mem>>) src(%dma_wait3A_29 : memref<80x125xi32, #tpu.memory_space<hbm>>) dst(%arg8 : memref<80x125xi32, #tpu.memory_space<vmem>>)
      tpu.yield
    }) : () -> ()
    %barrier3A = arith.constant 0 : index
    tpu.barrier barrier_id(%barrier3A)
    %scan3A_5 = arith.constant 0 : i32
    %scan3A_6 = arith.constant 80 : i32
    %scan3A_7 = arith.addi %scan3A_5, %scan3A_6 : i32
    %scan3A_8 = arith.constant 1 : i32
    scf.for %scan3A_16 = %scan3A_5 to %scan3A_7 step %scan3A_8  : i32 {
      %mul3A_17 = arith.constant 1 : i32
      %mul3A_18 = arith.muli %scan3A_16, %mul3A_17 : i32
      %add3A_19 = arith.constant 0 : i32
      %add3A_20 = arith.addi %add3A_19, %mul3A_18 : i32
      %dma_start3A = arith.constant 0 : i32
      %dma_start3A_21 = tpu.memref_slice %arg7[%add3A_20, %dma_start3A] : memref<80x125xi32, #tpu.memory_space<vmem>> -> memref<1x125xi32, #tpu.memory_space<vmem>>
      %dma_start3A_22 = tpu.memref_squeeze %dma_start3A_21 : memref<1x125xi32, #tpu.memory_space<vmem>> -> memref<125xi32, #tpu.memory_space<vmem>>
      %dma_start3A_23 = arith.constant 0 : i32
      %dma_start3A_24 = arith.constant 0 : i32
      %dma_start3A_25 = tpu.memref_slice %arg2[%dma_start3A_23, %dma_start3A_24] : memref<640000x128xf32, #tpu.memory_space<hbm>> -> memref<640000x128xf32, #tpu.memory_space<hbm>>
      tpu.enqueue_indirect_dma source(%dma_start3A_25 : memref<640000x128xf32, #tpu.memory_space<hbm>>) target(%arg9 : memref<125x128xf32, #tpu.memory_space<vmem>>) offsets(%dma_start3A_22 : memref<125xi32, #tpu.memory_space<vmem>>) semaphore(%arg11 : memref<!tpu.dma_semaphore, #tpu.memory_space<semaphore_mem>>)
      %dma_wait3A = arith.constant 0 : i32
      %dma_wait3A_26 = tpu.memref_slice %arg7[%add3A_20, %dma_wait3A] : memref<80x125xi32, #tpu.memory_space<vmem>> -> memref<1x125xi32, #tpu.memory_space<vmem>>
      %dma_wait3A_27 = tpu.memref_squeeze %dma_wait3A_26 : memref<1x125xi32, #tpu.memory_space<vmem>> -> memref<125xi32, #tpu.memory_space<vmem>>
      %dma_wait3A_28 = arith.constant 0 : i32
      %dma_wait3A_29 = arith.constant 0 : i32
      %dma_wait3A_30 = tpu.memref_slice %arg2[%dma_wait3A_28, %dma_wait3A_29] : memref<640000x128xf32, #tpu.memory_space<hbm>> -> memref<640000x128xf32, #tpu.memory_space<hbm>>
      tpu.wait_indirect_dma semaphore(%arg11 : memref<!tpu.dma_semaphore, #tpu.memory_space<semaphore_mem>>) src(%dma_wait3A_30 : memref<640000x128xf32, #tpu.memory_space<hbm>>) dst(%arg9 : memref<125x128xf32, #tpu.memory_space<vmem>>)
      "tpu.region"() ({
        %run_scoped3A = tpu.sem_alloc : memref<!tpu.dma_semaphore, #tpu.memory_space<semaphore_mem>>
        %dma_start3A_31 = arith.constant 0 : i32
        %dma_start3A_32 = tpu.memref_slice %arg8[%add3A_20, %dma_start3A_31] : memref<80x125xi32, #tpu.memory_space<vmem>> -> memref<1x125xi32, #tpu.memory_space<vmem>>
        %dma_start3A_33 = tpu.memref_squeeze %dma_start3A_32 : memref<1x125xi32, #tpu.memory_space<vmem>> -> memref<125xi32, #tpu.memory_space<vmem>>
        %dma_start3A_34 = arith.constant 0 : i32
        %dma_start3A_35 = arith.constant 0 : i32
        %dma_start3A_36 = tpu.memref_slice %arg10[%dma_start3A_34, %dma_start3A_35] : memref<10000x128xf32, #tpu.memory_space<vmem_shared>> -> memref<10000x128xf32, #tpu.memory_space<vmem_shared>>
        tpu.enqueue_indirect_dma source(%arg9 : memref<125x128xf32, #tpu.memory_space<vmem>>) target(%dma_start3A_36 : memref<10000x128xf32, #tpu.memory_space<vmem_shared>>) offsets(%dma_start3A_33 : memref<125xi32, #tpu.memory_space<vmem>>) semaphore(%run_scoped3A : memref<!tpu.dma_semaphore, #tpu.memory_space<semaphore_mem>>) {add = true}
        %dma_wait3A_37 = arith.constant 0 : i32
        %dma_wait3A_38 = tpu.memref_slice %arg8[%add3A_20, %dma_wait3A_37] : memref<80x125xi32, #tpu.memory_space<vmem>> -> memref<1x125xi32, #tpu.memory_space<vmem>>
        %dma_wait3A_39 = tpu.memref_squeeze %dma_wait3A_38 : memref<1x125xi32, #tpu.memory_space<vmem>> -> memref<125xi32, #tpu.memory_space<vmem>>
        %dma_wait3A_40 = arith.constant 0 : i32
        %dma_wait3A_41 = arith.constant 0 : i32
        %dma_wait3A_42 = tpu.memref_slice %arg10[%dma_wait3A_40, %dma_wait3A_41] : memref<10000x128xf32, #tpu.memory_space<vmem_shared>> -> memref<10000x128xf32, #tpu.memory_space<vmem_shared>>
        tpu.wait_indirect_dma semaphore(%run_scoped3A : memref<!tpu.dma_semaphore, #tpu.memory_space<semaphore_mem>>) src(%arg9 : memref<125x128xf32, #tpu.memory_space<vmem>>) dst(%dma_wait3A_42 : memref<10000x128xf32, #tpu.memory_space<vmem_shared>>)
        tpu.yield
      }) : () -> ()
    }
    %scan3A_9 = arith.constant 80 : i32
    %barrier3A_10 = arith.constant 0 : index
    tpu.barrier barrier_id(%barrier3A_10)
    %scan3A_11 = arith.constant 0 : i32
    %scan3A_12 = arith.constant 40 : i32
    %scan3A_13 = arith.addi %scan3A_11, %scan3A_12 : i32
    %scan3A_14 = arith.constant 1 : i32
    scf.for %scan3A_16 = %scan3A_11 to %scan3A_13 step %scan3A_14  : i32 {
      %mul3A_17 = arith.constant 1 : i32
      %mul3A_18 = arith.muli %scan3A_16, %mul3A_17 : i32
      %add3A_19 = arith.constant 0 : i32
      %add3A_20 = arith.addi %add3A_19, %mul3A_18 : i32
      %mul3A_21 = arith.constant 16 : i32
      %mul3A_22 = arith.muli %add3A_20, %mul3A_21 : i32
      %add3A_23 = arith.addi %mul3A_22, %arg1 : i32
      %lt3A = arith.constant 625 : i32
      %lt3A_24 = arith.cmpi slt, %add3A_23, %lt3A : i32
      %convert_element_type3A = arith.extui %lt3A_24 : i1 to i32
      %cond3A = arith.constant 0 : i32
      %cond3A_25 = arith.cmpi ne, %convert_element_type3A, %cond3A : i32
      scf.if %cond3A_25 {
        %mul3A_26 = arith.constant 16 : i32
        %mul3A_27 = arith.muli %add3A_23, %mul3A_26 : i32
        "tpu.region"() ({
          %run_scoped3A = tpu.sem_alloc : memref<!tpu.dma_semaphore, #tpu.memory_space<semaphore_mem>>
          %dma_start3A = arith.constant 0 : i32
          %dma_start3A_28 = arith.constant 0 : i32
          %dma_start3A_29 = tpu.memref_slice %arg6[%arg0, %dma_start3A, %dma_start3A_28] : memref<2x10000x128xf32, #tpu.memory_space<hbm>> -> memref<1x10000x128xf32, #tpu.memory_space<hbm>>
          %dma_start3A_30 = tpu.memref_squeeze %dma_start3A_29 : memref<1x10000x128xf32, #tpu.memory_space<hbm>> -> memref<10000x128xf32, #tpu.memory_space<hbm>>
          %dma_start3A_31 = arith.constant 0 : i32
          %dma_start3A_32 = tpu.memref_slice %dma_start3A_30[%mul3A_27, %dma_start3A_31] : memref<10000x128xf32, #tpu.memory_space<hbm>> -> memref<16x128xf32, #tpu.memory_space<hbm>>
          %dma_start3A_33 = arith.constant 0 : i32
          %dma_start3A_34 = tpu.memref_slice %arg10[%mul3A_27, %dma_start3A_33] : memref<10000x128xf32, #tpu.memory_space<vmem_shared>> -> memref<16x128xf32, #tpu.memory_space<vmem_shared>>
          tpu.enqueue_dma source(%dma_start3A_34 : memref<16x128xf32, #tpu.memory_space<vmem_shared>>) target(%dma_start3A_32 : memref<16x128xf32, #tpu.memory_space<hbm>>) target_semaphore(%run_scoped3A : memref<!tpu.dma_semaphore, #tpu.memory_space<semaphore_mem>>)
          %dma_wait3A = arith.constant 0 : i32
          %dma_wait3A_35 = arith.constant 0 : i32
          %dma_wait3A_36 = tpu.memref_slice %arg6[%arg0, %dma_wait3A, %dma_wait3A_35] : memref<2x10000x128xf32, #tpu.memory_space<hbm>> -> memref<1x10000x128xf32, #tpu.memory_space<hbm>>
          %dma_wait3A_37 = tpu.memref_squeeze %dma_wait3A_36 : memref<1x10000x128xf32, #tpu.memory_space<hbm>> -> memref<10000x128xf32, #tpu.memory_space<hbm>>
          %dma_wait3A_38 = arith.constant 0 : i32
          %dma_wait3A_39 = tpu.memref_slice %dma_wait3A_37[%mul3A_27, %dma_wait3A_38] : memref<10000x128xf32, #tpu.memory_space<hbm>> -> memref<16x128xf32, #tpu.memory_space<hbm>>
          %dma_wait3A_40 = arith.constant 0 : i32
          %dma_wait3A_41 = tpu.memref_slice %arg10[%mul3A_27, %dma_wait3A_40] : memref<10000x128xf32, #tpu.memory_space<vmem_shared>> -> memref<16x128xf32, #tpu.memory_space<vmem_shared>>
          tpu.wait_dma2 semaphore(%run_scoped3A : memref<!tpu.dma_semaphore, #tpu.memory_space<semaphore_mem>>) src(%dma_wait3A_41 : memref<16x128xf32, #tpu.memory_space<vmem_shared>>) dst(%dma_wait3A_39 : memref<16x128xf32, #tpu.memory_space<hbm>>)
          tpu.yield
        }) : () -> ()
      } else {
      }
    }
    %scan3A_15 = arith.constant 40 : i32
    return
  }
}

module attributes {stable_mosaic.version = 14 : i64} {
  func.func @_weights_body(%arg0: memref<64x64xf32, #tpu.memory_space<vmem>>, %arg1: memref<64x16384xf32, #tpu.memory_space<vmem>>, %arg2: memref<64x16384xf32, #tpu.memory_space<vmem>>) attributes {dimension_semantics = [], scalar_prefetch = 0 : i64, scratch_operands = 0 : i64, tpu.core_type = #tpu.core_type<tc>} {
    %get3A = arith.constant 0 : index
    %get3A_0 = arith.constant 0 : index
    %get3A_1 = vector.load %arg0[%get3A, %get3A_0] : memref<64x64xf32, #tpu.memory_space<vmem>>, vector<64x64xf32>
    %get3A_2 = arith.constant 0 : index
    %get3A_3 = arith.constant 0 : index
    %get3A_4 = vector.load %arg1[%get3A_2, %get3A_3] : memref<64x16384xf32, #tpu.memory_space<vmem>>, vector<64x16384xf32>
    %dot_general3A = arith.constant dense<0.000000e+00> : vector<64x16384xf32>
    %dot_general3A_5 = tpu.matmul %get3A_1, %get3A_4, %dot_general3A {dimension_numbers = #tpu.dot_dimension_numbers<[1], [0], [0], [1], [0, 0, 1, 1], [], []>, transpose_lhs_hint = false} : vector<64x64xf32>, vector<64x16384xf32>, vector<64x16384xf32> -> vector<64x16384xf32>
    %swap3A = arith.constant 0 : index
    %swap3A_6 = arith.constant 0 : index
    %swap3A_7 = vector.load %arg2[%swap3A, %swap3A_6] : memref<64x16384xf32, #tpu.memory_space<vmem>>, vector<64x16384xf32>
    tpu.vector_store %arg2[%swap3A, %swap3A_6], %dot_general3A_5 {strides = array<i32>} : memref<64x16384xf32, #tpu.memory_space<vmem>>, vector<64x16384xf32>,
    return
  }
}

module attributes {stable_mosaic.version = 14 : i64} {
  func.func @_project_body(%arg0: i32, %arg1: memref<10000x128xf32, #tpu.memory_space<vmem>>, %arg2: memref<1x128x128xf32, #tpu.memory_space<vmem>>, %arg3: memref<1x10000x128xf32, #tpu.memory_space<vmem>>) attributes {dimension_semantics = [#tpu.dimension_semantics<arbitrary>], iteration_bounds = array<i64: 64>, scalar_prefetch = 0 : i64, scratch_operands = 0 : i64, tpu.core_type = #tpu.core_type<tc>, window_params = [{pipeline_mode = #tpu.pipeline_mode<synchronous>, transform_indices = @transform_0, window_bounds = array<i64: 10000, 128>}, {transform_indices = @transform_1, window_bounds = array<i64: 1, 128, 128>}, {transform_indices = @transform_2, window_bounds = array<i64: 1, 10000, 128>}]} {
    %get3A = arith.constant 0 : index
    %get3A_0 = arith.constant 0 : index
    %get3A_1 = vector.load %arg1[%get3A, %get3A_0] : memref<10000x128xf32, #tpu.memory_space<vmem>>, vector<10000x128xf32>
    %get3A_2 = arith.constant 0 : index
    %get3A_3 = arith.constant 0 : index
    %get3A_4 = arith.constant 0 : index
    %get3A_5 = vector.load %arg2[%get3A_2, %get3A_3, %get3A_4] : memref<1x128x128xf32, #tpu.memory_space<vmem>>, vector<1x128x128xf32>
    %get3A_6 = vector.shape_cast %get3A_5 : vector<1x128x128xf32> to vector<128x128xf32>
    %dot_general3A = arith.constant dense<0.000000e+00> : vector<10000x128xf32>
    %dot_general3A_7 = tpu.matmul %get3A_1, %get3A_6, %dot_general3A {dimension_numbers = #tpu.dot_dimension_numbers<[1], [0], [0], [1], [0, 0, 1, 1], [], []>, transpose_lhs_hint = false} : vector<10000x128xf32>, vector<128x128xf32>, vector<10000x128xf32> -> vector<10000x128xf32>
    %swap3A = arith.constant 0 : index
    %swap3A_8 = arith.constant 0 : index
    %swap3A_9 = arith.constant 0 : index
    %swap3A_10 = vector.load %arg3[%swap3A, %swap3A_8, %swap3A_9] : memref<1x10000x128xf32, #tpu.memory_space<vmem>>, vector<1x10000x128xf32>
    %swap3A_11 = vector.shape_cast %swap3A_10 : vector<1x10000x128xf32> to vector<10000x128xf32>
    %swap3A_12 = vector.shape_cast %dot_general3A_7 : vector<10000x128xf32> to vector<1x10000x128xf32>
    tpu.vector_store %arg3[%swap3A, %swap3A_8, %swap3A_9], %swap3A_12 {strides = array<i32>} : memref<1x10000x128xf32, #tpu.memory_space<vmem>>, vector<1x10000x128xf32>,
    return
  }
  func.func @transform_0(%arg0: i32) -> (i32, i32) {
    %c0_i32 = arith.constant 0 : i32
    %c0_i32_0 = arith.constant 0 : i32
    %c0_i32_1 = arith.constant 0 : i32
    return %c0_i32, %c0_i32_0 : i32, i32
  }
  func.func @transform_1(%arg0: i32) -> (i32, i32, i32) {
    %c0_i32 = arith.constant 0 : i32
    %c0_i32_0 = arith.constant 0 : i32
    %c0_i32_1 = arith.constant 0 : i32
    return %arg0, %c0_i32, %c0_i32_0 : i32, i32, i32
  }
  func.func @transform_2(%arg0: i32) -> (i32, i32, i32) {
    %c0_i32 = arith.constant 0 : i32
    %c0_i32_0 = arith.constant 0 : i32
    %c0_i32_1 = arith.constant 0 : i32
    return %arg0, %c0_i32, %c0_i32_0 : i32, i32, i32
  }
}

module attributes {stable_mosaic.version = 14 : i64} {
  func.func @_tail_body(%arg0: memref<2x10000x128xf32, #tpu.memory_space<vmem>>, %arg1: memref<10000x128xf32, #tpu.memory_space<vmem>>, %arg2: memref<1x128xf32, #tpu.memory_space<vmem>>, %arg3: memref<128x128xf32, #tpu.memory_space<vmem>>, %arg4: memref<1x128xf32, #tpu.memory_space<vmem>>, %arg5: memref<1x128xf32, #tpu.memory_space<vmem>>, %arg6: memref<1x128xf32, #tpu.memory_space<vmem>>, %arg7: memref<10000x128xf32, #tpu.memory_space<vmem>>) attributes {dimension_semantics = [], scalar_prefetch = 0 : i64, scratch_operands = 0 : i64, tpu.core_type = #tpu.core_type<tc>} {
    %get3A = arith.constant 0 : index
    %get3A_0 = arith.constant 0 : index
    %get3A_1 = arith.constant 0 : index
    %get3A_2 = vector.load %arg0[%get3A, %get3A_0, %get3A_1] : memref<2x10000x128xf32, #tpu.memory_space<vmem>>, vector<1x10000x128xf32>
    %get3A_3 = vector.shape_cast %get3A_2 : vector<1x10000x128xf32> to vector<10000x128xf32>
    %get3A_4 = arith.constant 1 : index
    %get3A_5 = arith.constant 0 : index
    %get3A_6 = arith.constant 0 : index
    %get3A_7 = vector.load %arg0[%get3A_4, %get3A_5, %get3A_6] : memref<2x10000x128xf32, #tpu.memory_space<vmem>>, vector<1x10000x128xf32>
    %get3A_8 = vector.shape_cast %get3A_7 : vector<1x10000x128xf32> to vector<10000x128xf32>
    %add3A = arith.addf %get3A_3, %get3A_8 : vector<10000x128xf32>
    %get3A_9 = arith.constant 0 : index
    %get3A_10 = arith.constant 0 : index
    %get3A_11 = vector.load %arg2[%get3A_9, %get3A_10] : memref<1x128xf32, #tpu.memory_space<vmem>>, vector<1x128xf32>
    %add3A_12 = vector.broadcast %get3A_11 : vector<1x128xf32> to vector<10000x128xf32>
    %add3A_13 = arith.addf %add3A, %add3A_12 : vector<10000x128xf32>
    %max3A = arith.constant 0.000000e+00 : f32
    %max3A_14 = vector.broadcast %max3A : f32 to vector<10000x128xf32>
    %max3A_15 = arith.maximumf %add3A_13, %max3A_14 : vector<10000x128xf32>
    %get3A_16 = arith.constant 0 : index
    %get3A_17 = arith.constant 0 : index
    %get3A_18 = vector.load %arg1[%get3A_16, %get3A_17] : memref<10000x128xf32, #tpu.memory_space<vmem>>, vector<10000x128xf32>
    %get3A_19 = arith.constant 0 : index
    %get3A_20 = arith.constant 0 : index
    %get3A_21 = vector.load %arg3[%get3A_19, %get3A_20] : memref<128x128xf32, #tpu.memory_space<vmem>>, vector<128x128xf32>
    %dot_general3A = arith.constant dense<0.000000e+00> : vector<10000x128xf32>
    %dot_general3A_22 = tpu.matmul %get3A_18, %get3A_21, %dot_general3A {dimension_numbers = #tpu.dot_dimension_numbers<[1], [0], [0], [1], [0, 0, 1, 1], [], []>, transpose_lhs_hint = false} : vector<10000x128xf32>, vector<128x128xf32>, vector<10000x128xf32> -> vector<10000x128xf32>
    %get3A_23 = arith.constant 0 : index
    %get3A_24 = arith.constant 0 : index
    %get3A_25 = vector.load %arg4[%get3A_23, %get3A_24] : memref<1x128xf32, #tpu.memory_space<vmem>>, vector<1x128xf32>
    %add3A_26 = vector.broadcast %get3A_25 : vector<1x128xf32> to vector<10000x128xf32>
    %add3A_27 = arith.addf %dot_general3A_22, %add3A_26 : vector<10000x128xf32>
    %max3A_28 = arith.constant 0.000000e+00 : f32
    %max3A_29 = vector.broadcast %max3A_28 : f32 to vector<10000x128xf32>
    %max3A_30 = arith.maximumf %add3A_27, %max3A_29 : vector<10000x128xf32>
    %add3A_31 = arith.addf %max3A_15, %max3A_30 : vector<10000x128xf32>
    %reduce_sum3A = arith.constant dense<0.000000e+00> : vector<128xf32>
    %reduce_sum3A_32 = vector.multi_reduction <add>, %add3A_31, %reduce_sum3A [0] : vector<10000x128xf32> to vector<128xf32>
    %broadcast_in_dim3A = vector.shape_cast %reduce_sum3A_32 : vector<128xf32> to vector<1x128xf32>
    %div3A = arith.constant 1.000000e+04 : f32
    %div3A_33 = vector.broadcast %div3A : f32 to vector<1x128xf32>
    %div3A_34 = arith.divf %broadcast_in_dim3A, %div3A_33 : vector<1x128xf32>
    %sub3A = vector.broadcast %div3A_34 : vector<1x128xf32> to vector<10000x128xf32>
    %sub3A_35 = arith.subf %add3A_31, %sub3A : vector<10000x128xf32>
    %mul3A = arith.mulf %sub3A_35, %sub3A_35 : vector<10000x128xf32>
    %reduce_sum3A_36 = arith.constant dense<0.000000e+00> : vector<128xf32>
    %reduce_sum3A_37 = vector.multi_reduction <add>, %mul3A, %reduce_sum3A_36 [0] : vector<10000x128xf32> to vector<128xf32>
    %broadcast_in_dim3A_38 = vector.shape_cast %reduce_sum3A_37 : vector<128xf32> to vector<1x128xf32>
    %div3A_39 = arith.constant 1.000000e+04 : f32
    %div3A_40 = vector.broadcast %div3A_39 : f32 to vector<1x128xf32>
    %div3A_41 = arith.divf %broadcast_in_dim3A_38, %div3A_40 : vector<1x128xf32>
    %add3A_42 = arith.constant 9.99999974E-6 : f32
    %add3A_43 = vector.broadcast %add3A_42 : f32 to vector<1x128xf32>
    %add3A_44 = arith.addf %div3A_41, %add3A_43 : vector<1x128xf32>
    %rsqrt3A = math.rsqrt %add3A_44 : vector<1x128xf32>
    %mul3A_45 = vector.broadcast %rsqrt3A : vector<1x128xf32> to vector<10000x128xf32>
    %mul3A_46 = arith.mulf %sub3A_35, %mul3A_45 : vector<10000x128xf32>
    %get3A_47 = arith.constant 0 : index
    %get3A_48 = arith.constant 0 : index
    %get3A_49 = vector.load %arg5[%get3A_47, %get3A_48] : memref<1x128xf32, #tpu.memory_space<vmem>>, vector<1x128xf32>
    %mul3A_50 = vector.broadcast %get3A_49 : vector<1x128xf32> to vector<10000x128xf32>
    %mul3A_51 = arith.mulf %mul3A_46, %mul3A_50 : vector<10000x128xf32>
    %get3A_52 = arith.constant 0 : index
    %get3A_53 = arith.constant 0 : index
    %get3A_54 = vector.load %arg6[%get3A_52, %get3A_53] : memref<1x128xf32, #tpu.memory_space<vmem>>, vector<1x128xf32>
    %add3A_55 = vector.broadcast %get3A_54 : vector<1x128xf32> to vector<10000x128xf32>
    %add3A_56 = arith.addf %mul3A_51, %add3A_55 : vector<10000x128xf32>
    %swap3A = arith.constant 0 : index
    %swap3A_57 = arith.constant 0 : index
    %swap3A_58 = vector.load %arg7[%swap3A, %swap3A_57] : memref<10000x128xf32, #tpu.memory_space<vmem>>, vector<10000x128xf32>
    tpu.vector_store %arg7[%swap3A, %swap3A_57], %add3A_56 {strides = array<i32>} : memref<10000x128xf32, #tpu.memory_space<vmem>>, vector<10000x128xf32>,
    return
  }
}

</mosaic_0001>

<sc_bundles>
// kernel: kernel.6.cloned.1.call-start
scs
__scs_entry_jumppad:
0x0: {  	(pc) =	sbr.rel $0x88, $3  }
0x1: {  	(tag) =	ssettag $0x0;
	lr =	simm.s32 $0x1  }
0x2: {  	[smem:$0x3F97] =	sst lr;
	_ =	strace $0xD0000000  }
0x3: {  	_ = 	snop  }
0x4: {  	_ = 	snop  }
0x5: {  	_ = 	snop  }
0x6: {  	_ = 	snop  }
0x7: {  	_ = 	snop  }
__scs_overlays_trampoline_lowered:
0x8: {  	[smem:$0x3FA6] =	sst s0  }
0x9: {  	[smem:$0x3FA7] =	sst s1  }
0xa: {  	[smem:$0x3FA8] =	sst s2  }
0xb: {  	[smem:$0x3FA9] =	sst s3  }
0xc: {  	[smem:$0x3FAA] =	sst s4  }
0xd: {  	[smem:$0x3FAB] =	sst s5  }
0xe: {  	[smem:$0x3FAC] =	sst s6  }
0xf: {  	[smem:$0x3FAD] =	sst s7  }
0x10: {  	[smem:$0x3FAE] =	sst s8  }
0x11: {  	[smem:$0x3FAF] =	sst s9;
	s0 =	simm.s32 @!p0 $0x0  }
0x12: {  	s1 =	sld [smem:$0x3F95];
	s0 =	simm.s32 @p0 $0x1  }
0x13: {  	[smem:$0x3FB0] =	sst s0;
	s0 =	simm.s32 @!p1 $0x0  }
0x14: {  	s2 =	sld [smem:$0x3F94];
	s0 =	simm.s32 @p1 $0x1  }
0x15: {  	[smem:$0x3FB1] =	sst s0;
	s0 =	simm.s32 @!p2 $0x0  }
0x16: {  	s3 =	sld [smem:$0x3FDB];
	s0 =	simm.s32 @p2 $0x1  }
0x17: {  	s4 =	simm.s32 $0x1BF5;
	[smem:$0x3FB3] =	sst s0  }
0x18: {  	s0 =	sld [smem:$0x3F96];
	_ =	swait.ge [sflag:s4], $0x0  }
0x19: {  	s7 =	sld [smem:$0x3F97]  }
0x1a: {  	s8 =	sadd.s32 $0xFFFFE003, lr  }
0x1b: {  	s9 =	sadd.s32 $0xFFFFFEF7, lr;
	s5 =	simm.s32 $0xFFFFFFFF;
	p2 =	slt.u32 s8, $0xFFFFF086  }
0x1c: {  	p1 =	slt.u32 s9, $0xF7A;
	s5 =	simm.s32 @!p2 $0x0  }
0x1d: {  	s5 =	simm.s32 @p1 $0x1;
	p0 =	seq.s32 s7, s2  }
0x1e: {  	s7 =	smul.u32 @!p0 $0xF7A, s2;
	p2 =	seq.s32 @!p0 s5, $0x0  }
0x1f: {  	s9 =	smul.u32 $0xF7A, s1;
	s8 =	simm.s32 @!p0 $0x1BF5;
	p2 =	por !p2, p0  }
0x20: {  	[sflag:s8] =	ssyncset.s32 @!p0 $0xFFFFF086;
	s6 =	sadd.s32 @!p0 s3, s7;
	s7 =	simm.s32 @!p0 $0x108  }
0x21: {  	s3 =	sadd.s32 s3, s9;
	s6 =	sadd.s32 @!p0 $0x88, s6;
	s7 =	simm.s32 @p2 $0x1082  }
0x22: {  	[simem:s7], [sflag:s8] =	dma.local @!p0 [hbm:s6], $0xF7A  }
0x23: {  	s9 =	sor.u32 $0xD0000000, s2;
	s6 =	simm.s32 $0x108;
	_ =	swait.ge @!p0 [sflag:s8], $0x0  }
0x24: {  	s3 =	sadd.s32 $0x88, s3;
	s6 =	simm.s32 @!p1 $0x1082;
	[sflag:s4] =	ssyncset.s32 $0xFFFFF086  }
0x25: {  	[simem:s6], [sflag:s4] =	dma.local [hbm:s3], $0xF7A  }
0x26: {  	[smem:$0x3F97] =	sst s1;
	(tag) =	ssettag s2;
	_ =	strace s9  }
0x27: {  	s1 =	sld [smem:$0x3FA7]  }
0x28: {  	s2 =	sld [smem:$0x3FA8]  }
0x29: {  	s4 =	sld [smem:$0x3FAA]  }
0x2a: {  	p0 =	seq.s32 s5, $0x0;
	s5 =	sld [smem:$0x3FAB]  }
0x2b: {  	s6 =	sld [smem:$0x3FAC]  }
0x2c: {  	s7 =	sld [smem:$0x3FAD]  }
0x2d: {  	s3 =	simm.s32 $0x108;
	s8 =	sld [smem:$0x3FAE]  }
0x2e: {  	s3 =	simm.s32 @!p0 $0x1082;
	s9 =	sld [smem:$0x3FAF]  }
0x2f: {  	lr =	sadd.s32 s0, s3;
	s0 =	sld [smem:$0x3FA6]  }
0x30: {  	s3 =	sld [smem:$0x3FA9]  }
0x31: {  	[smem:$0x3FB2] =	sst s10  }
0x32: {  	s10 =	sld [smem:$0x3FB0];
	_ =	sdelay $0x3  }
0x33: {  	p0 =	seq.s32 s10, $0x1;
	s10 =	sld [smem:$0x3FB2];
	_ =	sdelay $0x3  }
0x34: {  	[smem:$0x3FB2] =	sst s10  }
0x35: {  	s10 =	sld [smem:$0x3FB1];
	_ =	sdelay $0x3  }
0x36: {  	p1 =	seq.s32 s10, $0x1;
	s10 =	sld [smem:$0x3FB2];
	_ =	sdelay $0x3  }
0x37: {  	[smem:$0x3FB2] =	sst s10  }
0x38: {  	s10 =	sld [smem:$0x3FB3]  }
0x39: {  	_ = 	snop;
	(pc) =	sbr.ind lr, $3  }
0x3a: {  	_ = 	snop  }
0x3b: {  	_ = 	snop  }
0x3c: {  	p2 =	seq.s32 s10, $0x1;
	s10 =	sld [smem:$0x3FB2]  }
0x3d: {  	_ =	shalt  }
0x3e: {  	_ =	shalt  }
0x3f: {  	_ =	shalt  }
0x40: {  	_ =	shalt  }
0x41: {  	_ =	shalt  }
0x42: {  	_ =	shalt  }
0x43: {  	_ =	shalt  }
0x44: {  	_ =	shalt  }
0x45: {  	_ =	shalt  }
0x46: {  	_ =	shalt  }
0x47: {  	_ =	shalt  }
0x48: {  	_ =	shalt  }
0x49: {  	_ =	shalt  }
0x4a: {  	_ =	shalt  }
0x4b: {  	_ =	shalt  }
0x4c: {  	_ =	shalt  }
0x4d: {  	_ =	shalt  }
0x4e: {  	_ =	shalt  }
0x4f: {  	_ =	shalt  }
0x50: {  	_ =	shalt  }
0x51: {  	_ =	shalt  }
0x52: {  	_ =	shalt  }
0x53: {  	_ =	shalt  }
0x54: {  	_ =	shalt  }
0x55: {  	_ =	shalt  }
0x56: {  	_ =	shalt  }
0x57: {  	_ =	shalt  }
0x58: {  	_ =	shalt  }
0x59: {  	_ =	shalt  }
0x5a: {  	_ =	shalt  }
0x5b: {  	_ =	shalt  }
0x5c: {  	_ =	shalt  }
0x5d: {  	_ =	shalt  }
0x5e: {  	_ =	shalt  }
0x5f: {  	_ =	shalt  }
0x60: {  	_ =	shalt  }
0x61: {  	_ =	shalt  }
0x62: {  	_ =	shalt  }
0x63: {  	_ =	shalt  }
0x64: {  	_ =	shalt  }
0x65: {  	_ =	shalt  }
0x66: {  	_ =	shalt  }
0x67: {  	_ =	shalt  }
0x68: {  	_ =	shalt  }
0x69: {  	_ =	shalt  }
0x6a: {  	_ =	shalt  }
0x6b: {  	_ =	shalt  }
0x6c: {  	_ =	shalt  }
0x6d: {  	_ =	shalt  }
0x6e: {  	_ =	shalt  }
0x6f: {  	_ =	shalt  }
0x70: {  	_ =	shalt  }
0x71: {  	_ =	shalt  }
0x72: {  	_ =	shalt  }
0x73: {  	_ =	shalt  }
0x74: {  	_ =	shalt  }
0x75: {  	_ =	shalt  }
0x76: {  	_ =	shalt  }
0x77: {  	_ =	shalt  }
0x78: {  	_ =	shalt  }
0x79: {  	_ =	shalt  }
0x7a: {  	_ =	shalt  }
0x7b: {  	_ =	shalt  }
0x7c: {  	_ =	shalt  }
0x7d: {  	_ =	shalt  }
0x7e: {  	_ =	shalt  }
0x7f: {  	_ =	shalt  }
0x80: {  	_ =	shalt  }
0x81: {  	_ =	shalt  }
0x82: {  	_ =	shalt  }
0x83: {  	_ =	shalt  }
0x84: {  	_ =	shalt  }
0x85: {  	_ =	shalt  }
0x86: {  	_ =	shalt  }
0x87: {  	_ =	shalt  }
.Lfunc_end0:
.L_simem_size_0:
called_computation_lowered:
.L_overlay_start_0:
0x88: {  	s2 =	sld [smem:$0x3FD9]  }
0x89: {  	s3 =	sld [smem:$0x3FFE];
	_ =	sdelay $0x1  }
0x8a: {  	s1 =	srdreg.scid  }
0x8b: {  	s0 =	sand.u32 $0x1, s1  }
0x8c: {  	s17 =	sshll.u32 s0, $0xA;
	s2 =	sadd.s32 s3, s2  }
0x8d: {  	s2 =	sadd.s32 s2, s17  }
0x8e: {  	[smem:$0x3FBE] =	sst s2  }
0x8f: {  	_ = 	snop  }
0x90: {  	s2 =	sld [smem:$0x3FD0];
	(tm) =	ssettm $0x1  }
0x91: {  	s18 =	sld [smem:$0x3FFB];
	_ =	sdelay $0x3  }
0x92: {  	_ =	strace s18  }
0x93: {  	s3 =	sld [smem:$0x3FFC];
	_ =	sdelay $0x3  }
0x94: {  	_ =	strace s3  }
0x95: {  	s3 =	sld [smem:$0x3FFD];
	_ =	sdelay $0x3  }
0x96: {  	_ =	strace s3  }
0x97: {  	_ =	strace $0x8FFFFFFF  }
0x98: {  	s19 =	sld [smem:$0x3FDB];
	_ =	sdelay $0x1  }
0x99: {  	s4 =	simm.s32 $_scs_section_size  }
0x9a: {  	s5 =	simm.s32 $_size__tile_overlayer_lowered;
	s6 =	simm.s32 $_tile_overlayer_lowered  }
0x9b: {  	s22 =	simm.s32 $0x1BFF;
	s21 =	sshll.u32 s6, $0x1;
	s3 =	sadd.s32 s4, s19  }
0x9c: {  	s7 =	simm.s32 $0x0;
	s20 =	sshll.u32 s5, $0x1;
	s5 =	sadd.s32 s21, s3  }
0x9d: {  	[timem:s7], [sflag:s22] =	dma.local [hbm:s5], s20  }
0x9e: {  	_ =	swait.ge [sflag:s22], s20  }
0x9f: {  	s4 =	ssub.s32 $0x0, s20;
	[sflag:s22] =	ssyncset.done $0x0  }
0xa0: {  	[sflag:s22] =	ssyncadd.s32 s4;
	_ =	sdelay $0x1  }
0xa1: {  	s23 =	simm.s32 $0x1B8B  }
0xa2: {  	_ =	swait.ge [sflag:s23], $0x1  }
0xa3: {  	[sflag:s23] =	ssyncset.done $0x0  }
0xa4: {  	s25 =	simm.s32 $0x1B8E;
	s24 =	sld [smem:$0x3FFE];
	[sflag:s23] =	ssyncadd.s32 $0xFFFFFFFF  }
0xa5: {  	s26 =	simm.s32 $execute0_lowered;
	[smem:$0x3FD2] =	sst s25  }
0xa6: {  	s5 =	sshll.u32 s26, $0x1;
	_ =	strace $0x80000046;
	[dreg:$0x1] =	wrdreg $0xFFFFFFFF  }
0xa7: {  	s28 =	simm.s32 $_size_execute0_lowered;
	s3 =	sadd.s32 s3, s5;
	[dreg:$0x0] =	wrdreg $0x0  }
0xa8: {  	s5 =	sshll.u32 s28, $0x1;
	[dreg:$0x2] =	wrdreg s3  }
0xa9: {  	[dreg:$0x3] =	wrdreg s5  }
0xaa: {  	[dreg:$0x4] =	wrdreg $0xC0  }
0xab: {  	_ =	task [dreg:s7], $0x5FFFF  }
0xac: {  	[dreg:$0x1] =	wrdreg $0xFFFFFFFF  }
0xad: {  	[dreg:$0x0] =	wrdreg $0x60  }
0xae: {  	[dreg:$0x2] =	wrdreg s24  }
0xaf: {  	[dreg:$0x3] =	wrdreg s2  }
0xb0: {  	[dreg:$0x4] =	wrdreg $0x90000  }
0xb1: {  	[dreg:$0x5] =	wrdreg $0x9  }
0xb2: {  	_ =	task.clear_ibuf [dreg:s7], $0x6FFFF;
	_ =	strace $0x90000046  }
0xb3: {  	s29 =	simm.s32 $0x9;
	_ =	strace $0x80000048  }
0xb4: {  	_ =	swait.ge [sflag:s29], $0x1  }
0xb5: {  	[sflag:s29] =	ssyncadd.s32 $0xFFFFFFFF  }
0xb6: {  	_ =	strace $0x90000048  }
0xb7: {  	_ =	sfence  }
0xb8: {  	s30 =	sld [smem:$0x0];
	_ =	sdelay $0x2  }
0xb9: {  	s31 =	sshll.u32 s1, $0xD;
	s1 =	sshrl.u32 s1, $0x2  }
0xba: {  	s3 =	sand.u32 $0x4000, s31;
	s1 =	sadd.s32 s1, s30  }
0xbb: {  	s0 =	sor.u32 s3, s0;
	s1 =	sshll.u32 s1, $0x11  }
0xbc: {  	s0 =	sor.u32 s1, s0  }
0xbd: {  	s0 =	sadd.s32 $0x8F2B, s0  }
0xbe: {  	[sflag:s0] =	ssyncadd.remote.s32 $0x1  }
0xbf: {  	_ =	sfence.sel $0xFFFF  }
0xc0: {  	[dreg:$0x0] =	wrdreg $0xFFFFFFFF;
	(pc) =	sbr.abs _section_cstart, $3  }
0xc1: {  	[dreg:$0x1] =	wrdreg $0xFFFFFFFF  }
0xc2: {  	_ =	task.clear_ibuf [dreg:s7], $0x2FFFF;
	_ =	strace $0x9FFFFFFF  }
0xc3: {  	(tm) =	ssettm $0x7FFFFFFF  }
tec
execute0_lowered:
.L_overlay_start_1:
0x0: {  	(tag) =	ssettag $0x1  }
0x1: {  	s5 =	rddreg [dreg:$0x0]  }
0x2: {  	s0 =	srdreg.scid;
	s11 =	rddreg [dreg:$0x1]  }
0x3: {  	s2 =	rddreg [dreg:$0x2];
	s1 =	stileid.u32;
	s3 =	simm.s32 $0x0  }
0x4: {  	s12 =	simm.s32 $0x2;
	s13 =	simm.s32 $0x2800;
	s14 =	simm.s32 $0x7D  }
0x5: {  	s15 =	simm.s32 $0x5000;
	s4 =	sand.u32 $0x1, s0;
	s0 =	rddreg [dreg:$0x3]  }
0x6: {  	s16 =	simm.s32 $0x1;
	[smem:$0x7FF] =	sst s3;
	s31 =	sshll.u32 s1, $0xB  }
0x7: {  	s10 =	sshll.u32 s1, $0x8;
	s6 =	sshll.u32 s4, $0x4;
	_ =	strace $0x80000047  }
0x8: {  	s7 =	smul.u32 $0x27100, s4;
	s8 =	ssub.s32 $0x2, s4;
	s6 =	sor.u32 s1, s6  }
0x9: {  	s4 =	sadd.s32 $0x15800, s5;
	s9 =	sshrl.u32 s8, $0x1;
	s6 =	smul.u32 $0x500, s6  }
0xa: {  	s11 =	sadd.s32 s10, s11;
	s7 =	sadd.s32 s7, s5;
	s8 =	ssub.s32 s8, s9  }
0xb: {  	s9 =	sadd.s32 s31, s2;
	s7 =	sadd.s32 $0x9D9800, s7;
	s6 =	sadd.s32 s6, s5  }
0xc: {  	s8 =	smax.u32 s8, $0x1;
	s5 =	sadd.s32 $0xB800, s6;
	s6 =	sadd.s32 $0x1800, s6  }
.LBB2_1:
0xd: {  	s17 =	sadd.s32 $0x0, s1  }
0xe: {  	p0 =	sgt.u32 s17, $0x270  }
0xf: {  	s17 =	sshll.u32 @!p0 s1, $0x6  }
0x10: {  	s18 =	sshrl.u32 @!p0 s9, $0x3;
	s20 =	simm.s32 @!p0 $0x2;
	s17 =	sor.u32 @!p0 $0x1C02, s17  }
0x11: {  	[spmem:s18], [sflag:s17] =	dma.local @!p0 [hbm:s11], $0x100  }
0x12: {  	s21 =	sadd.s32 $0x10, s1;
	s19 =	sadd.s32 $0x8000, s9;
	_ =	swait.ge @!p0 [sflag:s20], $0x100  }
0x13: {  	s18 =	simm.s32 $0x20;
	s17 =	sadd.s32 $0x1000, s11;
	[sflag:s20] =	ssyncset.done @!p0 $0x0  }
.LBB2_2:
0x14: {  	[sflag:s20] =	ssyncadd.s32 @!p0 $0xFFFFFF00  }
0x15: {  	p0 =	sgt.u32 s21, $0x270;
	s21 =	smov.u32 s18;
	s18 =	sadd.s32 $0x10, s18  }
0x16: {  	p1 =	sne.s32 s18, $0x280  }
.Ltmp0:
0x17: {  	s20 =	sshll.u32 @!p0 s1, $0x6;
	s22 =	sshrl.u32 @!p0 s19, $0x3;
	(pc) =	sbr.rel @p1 .LBB2_2-.Ltmp0, $4  }
0x18: {  	s23 =	sor.u32 @!p0 $0x1C02, s20;
	s20 =	simm.s32 @!p0 $0x2  }
0x19: {  	[spmem:s22], [sflag:s23] =	dma.local @!p0 [hbm:s17], $0x100  }
0x1a: {  	s17 =	sadd.s32 $0x1000, s17;
	_ =	swait.ge @!p0 [sflag:s20], $0x100  }
0x1b: {  	s21 =	sadd.s32 s21, s1;
	s19 =	sadd.s32 $0x8000, s19;
	[sflag:s20] =	ssyncset.done @!p0 $0x0  }
0x1c: {  	p1 =	sgt.u32 s21, $0x270  }
0x1d: {  	[sflag:s20] =	ssyncadd.s32 @!p0 $0xFFFFFF00;
	s18 =	sshll.u32 @!p1 s1, $0x6  }
0x1e: {  	s19 =	sshrl.u32 @!p1 s19, $0x3;
	s20 =	simm.s32 @!p1 $0x2;
	s18 =	sor.u32 @!p1 $0x1C02, s18  }
0x1f: {  	[spmem:s19], [sflag:s18] =	dma.local @!p1 [hbm:s17], $0x100  }
0x20: {  	_ =	swait.ge @!p1 [sflag:s20], $0x100  }
0x21: {  	[sflag:s20] =	ssyncset.done @!p1 $0x0  }
0x22: {  	s29 =	simm.s32 $0x0;
	[sflag:s20] =	ssyncadd.s32 @!p1 $0xFFFFFF00  }
0x23: {  	[tilespmem:s29], [sflag:$0x2] =	stream.linear.gather [hbm4b:s5+s29], $0x2800, $0x38;
	[tilespmem:$0x1C880] =	vst v63  }
0x24: {  	_ =	swait.ge [sflag:s12], $0x2800  }
0x25: {  	[sflag:s12] =	ssyncset.done $0x0  }
0x26: {  	[sflag:s12] =	ssyncadd.s32 $0xFFFFD800  }
0x27: {  	[tilespmem:s13], [sflag:$0x2] =	stream.linear.gather [hbm4b:s6+s29], $0x2800, $0x38;
	[tilespmem:$0x1C880] =	vst v63  }
0x28: {  	_ =	swait.ge [sflag:s12], $0x2800  }
0x29: {  	[sflag:s12] =	ssyncset.done $0x0  }
0x2a: {  	[sflag:s12] =	ssyncadd.s32 $0xFFFFD800  }
0x2b: {  	s30 =	simm.s32 $0x0;
	[bflag:$0x0] =	sbarrier.arrive $0xFFFF  }
0x2c: {  	[tilespmem:s15], [sflag:$0x1] =	stream.indirect.gather [hbm4b:s4+s14], $0x80, s30, s14, $0xb8;
	[tilespmem:$0x1C880] =	vst v63  }
0x2d: {  	_ =	swait.ge [sflag:s16], $0x3E80  }
0x2e: {  	[sflag:s16] =	ssyncset.done $0x0  }
0x2f: {  	s31 =	simm.s32 $0x2800;
	[sflag:s16] =	ssyncadd.s32 $0xFFFFC180  }
0x30: {  	[spmem:s2] =	stream.indirect.scatter.add.f32 [tilespmem:s15], [sflag:$0x2], $0x80, s31, s14, $0xb8;
	[tilespmem:$0x1C880] =	vst v63  }
0x31: {  	_ =	swait.ge [sflag:s12], $0x3E80  }
0x32: {  	s17 =	simm.s32 $0x200;
	s18 =	simm.s32 $0x400;
	[sflag:s12] =	ssyncset.done $0x0  }
.LBB2_4:
0x33: {  	s19 =	sshra.s32 s17, $0x2  }
0x34: {  	[sflag:s12] =	ssyncadd.s32 $0xFFFFC180;
	s17 =	smov.u32 s18;
	s20 =	sadd.s32 $0x200, s18  }
0x35: {  	[tilespmem:s15], [sflag:$0x1] =	stream.indirect.gather [hbm4b:s4+s14], $0x80, s19, s14, $0xb8;
	[tilespmem:$0x1C880] =	vst v63  }
0x36: {  	p0 =	sne.s32 s18, $0x9E00;
	_ =	swait.ge [sflag:s16], $0x3E80  }
.Ltmp1:
0x37: {  	[sflag:s16] =	ssyncset.done $0x0;
	(pc) =	sbr.rel @p0 .LBB2_4-.Ltmp1, $4  }
0x38: {  	s18 =	sadd.s32 $0x2800, s19;
	[sflag:s16] =	ssyncadd.s32 $0xFFFFC180  }
0x39: {  	[spmem:s2] =	stream.indirect.scatter.add.f32 [tilespmem:s15], [sflag:$0x2], $0x80, s18, s14, $0xb8;
	[tilespmem:$0x1C880] =	vst v63  }
0x3a: {  	_ =	swait.ge [sflag:s12], $0x3E80  }
0x3b: {  	s18 =	smov.u32 s20;
	[sflag:s12] =	ssyncset.done $0x0  }
0x3c: {  	s17 =	sshra.s32 s17, $0x2;
	[sflag:s12] =	ssyncadd.s32 $0xFFFFC180  }
0x3d: {  	[tilespmem:s15], [sflag:$0x1] =	stream.indirect.gather [hbm4b:s4+s14], $0x80, s17, s14, $0xb8;
	[tilespmem:$0x1C880] =	vst v63  }
0x3e: {  	_ =	swait.ge [sflag:s16], $0x3E80  }
0x3f: {  	[sflag:s16] =	ssyncset.done $0x0  }
0x40: {  	s31 =	sadd.s32 $0x0, s1;
	s17 =	sadd.s32 $0x2800, s17;
	[sflag:s16] =	ssyncadd.s32 $0xFFFFC180  }
0x41: {  	[spmem:s2] =	stream.indirect.scatter.add.f32 [tilespmem:s15], [sflag:$0x2], $0x80, s17, s14, $0xb8;
	[tilespmem:$0x1C880] =	vst v63  }
0x42: {  	p0 =	sgt.u32 s31, $0x270;
	_ =	swait.ge [sflag:s12], $0x3E80  }
0x43: {  	s19 =	simm.s32 @!p0 $0x2;
	[sflag:s12] =	ssyncset.done $0x0  }
0x44: {  	s18 =	sadd.s32 @!p0 s10, s7;
	s17 =	sshll.u32 @!p0 s1, $0x6;
	[sflag:s12] =	ssyncadd.s32 $0xFFFFC180  }
0x45: {  	s20 =	sshrl.u32 @!p0 s9, $0x3;
	s17 =	sor.u32 @!p0 $0x1C02, s17;
	[bflag:$0x0] =	sbarrier.arrive $0xFFFF  }
0x46: {  	[hbm:s18], [sflag:s17] =	dma.local @!p0 [spmem:s20], $0x100  }
0x47: {  	s21 =	sadd.s32 $0x10, s1;
	s20 =	simm.s32 $0x20;
	_ =	swait.ge @!p0 [sflag:s19], $0x100  }
0x48: {  	s17 =	sadd.s32 $0x1000, s10;
	s18 =	sadd.s32 $0x8000, s9;
	[sflag:s19] =	ssyncset.done @!p0 $0x0  }
.LBB2_6:
0x49: {  	[sflag:s19] =	ssyncadd.s32 @!p0 $0xFFFFFF00  }
0x4a: {  	p0 =	sgt.u32 s21, $0x270;
	s21 =	smov.u32 s20;
	s20 =	sadd.s32 $0x10, s20  }
0x4b: {  	p1 =	sne.s32 s20, $0x280  }
.Ltmp2:
0x4c: {  	s22 =	sshll.u32 @!p0 s1, $0x6;
	s19 =	simm.s32 @!p0 $0x2;
	(pc) =	sbr.rel @p1 .LBB2_6-.Ltmp2, $4  }
0x4d: {  	s23 =	sadd.s32 @!p0 s17, s7;
	s24 =	sshrl.u32 @!p0 s18, $0x3;
	s22 =	sor.u32 @!p0 $0x1C02, s22  }
0x4e: {  	[hbm:s23], [sflag:s22] =	dma.local @!p0 [spmem:s24], $0x100  }
0x4f: {  	s17 =	sadd.s32 $0x1000, s17;
	_ =	swait.ge @!p0 [sflag:s19], $0x100  }
0x50: {  	s21 =	sadd.s32 s21, s1;
	s18 =	sadd.s32 $0x8000, s18;
	[sflag:s19] =	ssyncset.done @!p0 $0x0  }
0x51: {  	p1 =	sgt.u32 s21, $0x270  }
0x52: {  	[sflag:s19] =	ssyncadd.s32 @!p0 $0xFFFFFF00;
	s3 =	sadd.s32 $0x1, s3;
	s19 =	sshll.u32 @!p1 s1, $0x6  }
0x53: {  	s20 =	simm.s32 @!p1 $0x2;
	s17 =	sadd.s32 @!p1 s17, s7;
	p0 =	sne.s32 s3, s8  }
.Ltmp3:
0x54: {  	s18 =	sshrl.u32 @!p1 s18, $0x3;
	s19 =	sor.u32 @!p1 $0x1C02, s19;
	(pc) =	sbr.rel @p0 .LBB2_1-.Ltmp3, $4  }
0x55: {  	[hbm:s17], [sflag:s19] =	dma.local @!p1 [spmem:s18], $0x100  }
0x56: {  	_ =	swait.ge @!p1 [sflag:s20], $0x100  }
0x57: {  	[sflag:s20] =	ssyncset.done @!p1 $0x0  }
0x58: {  	[sflag:s20] =	ssyncadd.s32 @!p1 $0xFFFFFF00  }
0x59: {  	_ =	sfence.sel $0x180000  }
0x5a: {  	[bflag:$0x0] =	sbarrier.arrive $0xFFFF  }
0x5b: {  	p0 =	sne.s32 s1, $0x0;
	_ =	strace $0x90000047  }
0x5c: {  	s0 =	sadd.s32 @!p0 $0x100000, s0;
	[bflag:$0x2] =	sbarrier.arrive $0xFFFF  }
0x5d: {  	[sflag:s0] =	ssyncadd.tile.s32 @!p0 $0x1;
	_ =	shalt  }
.Lfunc_end2:
_tile_overlayer_lowered:
.L_overlay_start_2:
0x5e: {  	(tag) =	ssettag $0x2  }
0x5f: {  	s0 =	rddreg [dreg:$0x0];
	s2 =	stileid.u32  }
0x60: {  	s1 =	rddreg [dreg:$0x1];
	p0 =	sne.s32 s2, $0x0  }
0x61: {  	s3 =	rddreg [dreg:$0x2];
	[bflag:$0x3] =	sbarrier.arrive $0xFFFF;
	s2 =	simm.s32 @!p0 $0x1C02  }
0x62: {  	[timem:s3], [sflag:s2] =	dma.local @!p0 [hbm:s0], s1  }
0x63: {  	s0 =	simm.s32 @!p0 $0x2  }
0x64: {  	_ =	swait.ge @!p0 [sflag:s0], s1  }
0x65: {  	s1 =	ssub.s32 @!p0 $0x0, s1;
	[sflag:s0] =	ssyncset.done @!p0 $0x0  }
0x66: {  	[sflag:s0] =	ssyncadd.s32 @!p0 s1  }
0x67: {  	[bflag:$0x3] =	sbarrier.arrive $0xFFFF  }
0x68: {  	_ =	shalt  }

</sc_bundles>
